<compile_context>
chip_gen: v7x
topology: tpu7x:2x2x1
jax: 0.10.2.dev20260603
libtpu: 0.0.44.dev20260713+nightly
codegen_flags: <defaults>
</compile_context>

<pallas_src>
import functools

import jax
import jax.numpy as jnp
from jax import lax
from jax.experimental import pallas as pl
from jax.experimental.pallas import tpu as pltpu
from jax.experimental.pallas import tpu_sc as plsc

_B, _Q, _C, _S, _T = 8, 20000, 91, 10, 50
_BQ = 2000
_CP = 128
_TP = 64


def _group_onehot():
    g = lax.broadcasted_iota(jnp.int32, (_S, _C), 0)
    c = lax.broadcasted_iota(jnp.int32, (_S, _C), 1)
    gid = jnp.where(c < 10, 0, (c - 10) // 9 + 1)
    return (g == gid).astype(jnp.float32)


def _table_body(logits_ref, sup_ref, out_ref):
    qi = pl.program_id(1)
    l = logits_ref[0]
    s = sup_ref[0]
    u1 = jnp.exp(-l) + 1.0
    v1 = jnp.exp(-s) + 1.0
    vv = lax.dot_general(v1, _group_onehot(),
                         (((1,), (0,)), ((), ())),
                         precision=lax.Precision.HIGHEST,
                         preferred_element_type=jnp.float32)
    t = u1 * vv
    m = jnp.min(t, axis=0)

    @pl.when(qi == 0)
    def _init():
        out_ref[...] = jnp.full((1, 1, _CP), jnp.inf, jnp.float32)

    out_ref[0, 0, 0:_C] = jnp.minimum(out_ref[0, 0, 0:_C], m)


def _min_table(pred_logits, pred_super_logits):
    return pl.pallas_call(
        _table_body,
        grid=(_B, _Q // _BQ),
        in_specs=[
            pl.BlockSpec((1, _BQ, _C), lambda b, q: (b, q, 0)),
            pl.BlockSpec((1, _BQ, _S), lambda b, q: (b, q, 0)),
        ],
        out_specs=pl.BlockSpec((1, 1, _CP), lambda b, q: (b, 0, 0)),
        out_shape=jax.ShapeDtypeStruct((_B, 1, _CP), jnp.float32),
        compiler_params=pltpu.CompilerParams(
            dimension_semantics=("parallel", "arbitrary")),
    )(pred_logits, pred_super_logits)


def _vreg_gather(vec, idx):
    return lax.gather(
        vec, idx[:, None],
        lax.GatherDimensionNumbers(
            offset_dims=(), collapsed_slice_dims=(0,), start_index_map=(0,)),
        slice_sizes=(1,),
        mode=lax.GatherScatterMode.PROMISE_IN_BOUNDS)


def _gather_body(table_hbm, labels_hbm, out_hbm, idx_v, m_v, out_v):
    wid = lax.axis_index("s") * 2 + lax.axis_index("c")
    b = wid // 4
    pltpu.sync_copy(labels_hbm.at[pl.ds(wid * 16, 16)], idx_v)
    pltpu.sync_copy(table_hbm.at[pl.ds(b * _CP, 64)], m_v)
    idx = idx_v[...]
    low = jnp.bitwise_and(idx, 15)
    hi = jnp.right_shift(idx, 4)
    vals = _vreg_gather(m_v[pl.ds(0, 16)], low)
    for j in range(1, 4):
        g = _vreg_gather(m_v[pl.ds(j * 16, 16)], low)
        vals = jnp.where(hi == j, g, vals)
    out_v[...] = 1.0 / vals
    pltpu.sync_copy(out_v, out_hbm.at[pl.ds(wid * 16, 16)])


@functools.cache
def _gather_scores():
    return pl.kernel(
        _gather_body,
        mesh=plsc.VectorSubcoreMesh(core_axis_name="c", subcore_axis_name="s"),
        out_type=jax.ShapeDtypeStruct((_B * _TP,), jnp.float32),
        scratch_types=[
            pltpu.VMEM((16,), jnp.int32),
            pltpu.VMEM((64,), jnp.float32),
            pltpu.VMEM((16,), jnp.float32),
        ],
    )


def kernel(samples, pred_logits, pred_super_logits, tgt_labels, image_ids):
    table = _min_table(pred_logits, pred_super_logits)
    labels = jnp.pad(tgt_labels, ((0, 0), (0, _TP - _T)))
    scores = _gather_scores()(table.reshape(_B * _CP),
                              labels.reshape(_B * _TP))
    return scores.reshape(_B, _TP)[:, :_T]

# --- scband reference (transcript-rebuilt; emitter-appended) ---
"""Pipeline reference for scband-exemplar-selection-83743272338142 (READ-ONLY COPY).

The authoritative reference and input builder live on the scoring server;
editing this copy changes nothing except your own understanding.
"""

import jax, jax.numpy as jnp
import numpy as np

B, Q, C, S, T = 8, 20000, 91, 10, 50
NUM_SEEN = 60
INVALID_CLS = np.arange(60, 91)
INVALID_SUP = np.array([8, 9])
# match_dict: partition the 91 class logits into 10 super-class groups
MATCH_GROUPS = [np.asarray(g) for g in np.array_split(np.arange(C), S)]


def setup_inputs(seed: int = 0) -> dict:
    key = jax.random.key(seed)
    k1, k2, k3, k4 = jax.random.split(key, 4)
    samples = jax.random.normal(k1, (B, 3, 64, 64), dtype=jnp.float32)
    pred_logits = jax.random.normal(k2, (B, Q, C), dtype=jnp.float32)
    pred_super_logits = jax.random.normal(k3, (B, Q, S), dtype=jnp.float32)
    tgt_labels = jax.random.randint(k4, (B, T), 0, NUM_SEEN, dtype=jnp.int32)
    image_ids = jnp.arange(B, dtype=jnp.int32)
    return {"samples": samples, "pred_logits": pred_logits, "pred_super_logits": pred_super_logits, "tgt_labels": tgt_labels, "image_ids": image_ids}


def reference(samples, pred_logits, pred_super_logits, tgt_labels, image_ids):
    # mask invalid (unseen) class and super-class logits (in-place -1e11 in torch)
    out_logits = pred_logits.at[:, :, jnp.asarray(INVALID_CLS)].set(-100000000000.0)
    out_sup_logits = pred_super_logits.at[:, :, jnp.asarray(INVALID_SUP)].set(-100000000000.0)
    prob = jax.nn.sigmoid(out_logits)
    out_sup_sig = jax.nn.sigmoid(out_sup_logits)
    # gate each class-group probability by its super-class probability
    for sup_i in range(S):
        ids = jnp.asarray(MATCH_GROUPS[sup_i])
        prob = prob.at[:, :, ids].multiply(out_sup_sig[:, :, sup_i][:, :, None])
    # matcher (greedy stand-in for Hungarian): for each target label, pick the
    # query with the highest gated probability for that label.
    lab = jnp.broadcast_to(tgt_labels[:, None, :], (B, Q, T))
    cand = jnp.take_along_axis(prob, lab, axis=2)  # [B, Q, T]
    src_idx = jnp.argmax(cand, axis=1)  # [B, T] matched query index per target
    # scores = prob[i, indices[i][0], targets[i]['labels']] per image
    scores = jnp.take_along_axis(cand, src_idx[:, None, :], axis=1)[:, 0, :]  # [B, T]
    return scores


if False:  # reference __main__ guard neutralized (emitter)
    out = reference(**setup_inputs())
    print(out.shape, out.dtype)

if __name__ == "__main__":
    import jax
    _d = setup_inputs()
    print(jax.jit(kernel)(*tuple(_d.values())))

</pallas_src>

<mosaic_0001>
#map = affine_map<(d0, d1) -> (0)>
module attributes {stable_mosaic.version = 14 : i64} {
  func.func @_gather_body(%arg0: i32, %arg1: i32, %arg2: memref<1024xf32, #tpu.memory_space<hbm>>, %arg3: memref<512xi32, #tpu.memory_space<hbm>>, %arg4: memref<512xf32, #tpu.memory_space<hbm>>, %arg5: memref<16xi32, #tpu.memory_space<vmem>>, %arg6: memref<64xf32, #tpu.memory_space<vmem>>, %arg7: memref<16xf32, #tpu.memory_space<vmem>>) attributes {dimension_semantics = [#tpu.dimension_semantics<core_parallel>, #tpu.dimension_semantics<subcore_parallel>], iteration_bounds = array<i64: 2, 16>, scalar_prefetch = 0 : i64, scratch_operands = 3 : i64, tpu.core_type = #tpu.core_type<sc_vector_subcore>, window_params = [{transform_indices = #map}, {transform_indices = #map}, {transform_indices = #map}]} {
    %mul3A = arith.constant 2 : i32
    %mul3A_0 = arith.muli %arg1, %mul3A : i32
    %add3A = arith.addi %mul3A_0, %arg0 : i32
    %jit3A = arith.constant 4 : i32
    %div3A = arith.divsi %add3A, %jit3A : i32
    %sign3A = arith.constant 0 : i32
    %sign3A_1 = arith.cmpi sgt, %add3A, %sign3A : i32
    %sign3A_2 = arith.extui %sign3A_1 : i1 to i32
    %sign3A_3 = arith.constant 0 : i32
    %sign3A_4 = arith.cmpi slt, %add3A, %sign3A_3 : i32
    %sign3A_5 = arith.extui %sign3A_4 : i1 to i32
    %sign3A_6 = arith.subi %sign3A_2, %sign3A_5 : i32
    %sign3A_7 = arith.constant 0 : i32
    %sign3A_8 = arith.cmpi sgt, %jit3A, %sign3A_7 : i32
    %sign3A_9 = arith.extui %sign3A_8 : i1 to i32
    %sign3A_10 = arith.constant 0 : i32
    %sign3A_11 = arith.cmpi slt, %jit3A, %sign3A_10 : i32
    %sign3A_12 = arith.extui %sign3A_11 : i1 to i32
    %sign3A_13 = arith.subi %sign3A_9, %sign3A_12 : i32
    %ne3A = arith.cmpi ne, %sign3A_6, %sign3A_13 : i32
    %rem3A = arith.remsi %add3A, %jit3A : i32
    %ne3A_14 = arith.constant 0 : i32
    %ne3A_15 = arith.cmpi ne, %rem3A, %ne3A_14 : i32
    %and3A = arith.andi %ne3A, %ne3A_15 : i1
    %sub3A = arith.constant 1 : i32
    %sub3A_16 = arith.subi %div3A, %sub3A : i32
    %select_n3A = arith.select %and3A, %sub3A_16, %div3A : i32
    %mul3A_17 = arith.constant 16 : i32
    %mul3A_18 = arith.muli %add3A, %mul3A_17 : i32
    "tpu.region"() ({
      %run_scoped3A = tpu.sem_alloc : memref<!tpu.dma_semaphore, #tpu.memory_space<semaphore_mem>>
      %dma_start3A = tpu.memref_slice %arg3[%mul3A_18] : memref<512xi32, #tpu.memory_space<hbm>> -> memref<16xi32, #tpu.memory_space<hbm>>
      %dma_start3A_69 = tpu.memref_slice %arg3[%mul3A_18] : memref<512xi32, #tpu.memory_space<hbm>> -> memref<16xi32, #tpu.memory_space<hbm>>
      tpu.enqueue_dma source(%dma_start3A_69 : memref<16xi32, #tpu.memory_space<hbm>>) target(%arg5 : memref<16xi32, #tpu.memory_space<vmem>>) target_semaphore(%run_scoped3A : memref<!tpu.dma_semaphore, #tpu.memory_space<semaphore_mem>>)
      %dma_wait3A = tpu.memref_slice %arg3[%mul3A_18] : memref<512xi32, #tpu.memory_space<hbm>> -> memref<16xi32, #tpu.memory_space<hbm>>
      %dma_wait3A_70 = tpu.memref_slice %arg3[%mul3A_18] : memref<512xi32, #tpu.memory_space<hbm>> -> memref<16xi32, #tpu.memory_space<hbm>>
      tpu.wait_dma2 semaphore(%run_scoped3A : memref<!tpu.dma_semaphore, #tpu.memory_space<semaphore_mem>>) src(%dma_wait3A_70 : memref<16xi32, #tpu.memory_space<hbm>>) dst(%arg5 : memref<16xi32, #tpu.memory_space<vmem>>)
      tpu.yield
    }) : () -> ()
    %mul3A_19 = arith.constant 128 : i32
    %mul3A_20 = arith.muli %select_n3A, %mul3A_19 : i32
    "tpu.region"() ({
      %run_scoped3A = tpu.sem_alloc : memref<!tpu.dma_semaphore, #tpu.memory_space<semaphore_mem>>
      %dma_start3A = tpu.memref_slice %arg2[%mul3A_20] : memref<1024xf32, #tpu.memory_space<hbm>> -> memref<64xf32, #tpu.memory_space<hbm>>
      %dma_start3A_69 = tpu.memref_slice %arg2[%mul3A_20] : memref<1024xf32, #tpu.memory_space<hbm>> -> memref<64xf32, #tpu.memory_space<hbm>>
      tpu.enqueue_dma source(%dma_start3A_69 : memref<64xf32, #tpu.memory_space<hbm>>) target(%arg6 : memref<64xf32, #tpu.memory_space<vmem>>) target_semaphore(%run_scoped3A : memref<!tpu.dma_semaphore, #tpu.memory_space<semaphore_mem>>)
      %dma_wait3A = tpu.memref_slice %arg2[%mul3A_20] : memref<1024xf32, #tpu.memory_space<hbm>> -> memref<64xf32, #tpu.memory_space<hbm>>
      %dma_wait3A_70 = tpu.memref_slice %arg2[%mul3A_20] : memref<1024xf32, #tpu.memory_space<hbm>> -> memref<64xf32, #tpu.memory_space<hbm>>
      tpu.wait_dma2 semaphore(%run_scoped3A : memref<!tpu.dma_semaphore, #tpu.memory_space<semaphore_mem>>) src(%dma_wait3A_70 : memref<64xf32, #tpu.memory_space<hbm>>) dst(%arg6 : memref<64xf32, #tpu.memory_space<vmem>>)
      tpu.yield
    }) : () -> ()
    %get3A = arith.constant 0 : index
    %get3A_21 = tpu.vector_load %arg5[%get3A] {strides = array<i32>} : memref<16xi32, #tpu.memory_space<vmem>>, vector<16xi32>,
    %get3A_22 = vector.shape_cast %get3A_21 : vector<16xi32> to vector<16xi32>
    %and3A_23 = arith.constant 15 : i32
    %and3A_24 = vector.broadcast %and3A_23 : i32 to vector<16xi32>
    %and3A_25 = arith.andi %get3A_22, %and3A_24 : vector<16xi32>
    %shift_right_arithmetic3A = arith.constant 4 : i32
    %shift_right_arithmetic3A_26 = vector.broadcast %shift_right_arithmetic3A : i32 to vector<16xi32>
    %shift_right_arithmetic3A_27 = arith.shrsi %get3A_22, %shift_right_arithmetic3A_26 : vector<16xi32>
    %get3A_28 = arith.constant 0 : index
    %get3A_29 = tpu.vector_load %arg6[%get3A_28] {strides = array<i32>} : memref<64xf32, #tpu.memory_space<vmem>>, vector<16xf32>,
    %get3A_30 = vector.shape_cast %get3A_29 : vector<16xf32> to vector<16xf32>
    %broadcast_in_dim3A = vector.shape_cast %and3A_25 : vector<16xi32> to vector<16x1xi32>
    %gather3A = vector.shape_cast %broadcast_in_dim3A : vector<16x1xi32> to vector<16xi32>
    %gather3A_31 = tpu.dynamic_gather %get3A_30[%gather3A] in [0] : vector<16xf32>, vector<16xi32> -> vector<16xf32>
    %get3A_32 = arith.constant 16 : index
    %get3A_33 = tpu.vector_load %arg6[%get3A_32] {strides = array<i32>} : memref<64xf32, #tpu.memory_space<vmem>>, vector<16xf32>,
    %get3A_34 = vector.shape_cast %get3A_33 : vector<16xf32> to vector<16xf32>
    %broadcast_in_dim3A_35 = vector.shape_cast %and3A_25 : vector<16xi32> to vector<16x1xi32>
    %gather3A_36 = vector.shape_cast %broadcast_in_dim3A_35 : vector<16x1xi32> to vector<16xi32>
    %gather3A_37 = tpu.dynamic_gather %get3A_34[%gather3A_36] in [0] : vector<16xf32>, vector<16xi32> -> vector<16xf32>
    %eq3A = arith.constant 1 : i32
    %eq3A_38 = vector.broadcast %eq3A : i32 to vector<16xi32>
    %eq3A_39 = arith.cmpi eq, %shift_right_arithmetic3A_27, %eq3A_38 : vector<16xi32>
    %select_n3A_40 = arith.select %eq3A_39, %gather3A_37, %gather3A_31 : vector<16xi1>, vector<16xf32>
    %get3A_41 = arith.constant 32 : index
    %get3A_42 = tpu.vector_load %arg6[%get3A_41] {strides = array<i32>} : memref<64xf32, #tpu.memory_space<vmem>>, vector<16xf32>,
    %get3A_43 = vector.shape_cast %get3A_42 : vector<16xf32> to vector<16xf32>
    %broadcast_in_dim3A_44 = vector.shape_cast %and3A_25 : vector<16xi32> to vector<16x1xi32>
    %gather3A_45 = vector.shape_cast %broadcast_in_dim3A_44 : vector<16x1xi32> to vector<16xi32>
    %gather3A_46 = tpu.dynamic_gather %get3A_43[%gather3A_45] in [0] : vector<16xf32>, vector<16xi32> -> vector<16xf32>
    %eq3A_47 = arith.constant 2 : i32
    %eq3A_48 = vector.broadcast %eq3A_47 : i32 to vector<16xi32>
    %eq3A_49 = arith.cmpi eq, %shift_right_arithmetic3A_27, %eq3A_48 : vector<16xi32>
    %select_n3A_50 = arith.select %eq3A_49, %gather3A_46, %select_n3A_40 : vector<16xi1>, vector<16xf32>
    %get3A_51 = arith.constant 48 : index
    %get3A_52 = tpu.vector_load %arg6[%get3A_51] {strides = array<i32>} : memref<64xf32, #tpu.memory_space<vmem>>, vector<16xf32>,
    %get3A_53 = vector.shape_cast %get3A_52 : vector<16xf32> to vector<16xf32>
    %broadcast_in_dim3A_54 = vector.shape_cast %and3A_25 : vector<16xi32> to vector<16x1xi32>
    %gather3A_55 = vector.shape_cast %broadcast_in_dim3A_54 : vector<16x1xi32> to vector<16xi32>
    %gather3A_56 = tpu.dynamic_gather %get3A_53[%gather3A_55] in [0] : vector<16xf32>, vector<16xi32> -> vector<16xf32>
    %eq3A_57 = arith.constant 3 : i32
    %eq3A_58 = vector.broadcast %eq3A_57 : i32 to vector<16xi32>
    %eq3A_59 = arith.cmpi eq, %shift_right_arithmetic3A_27, %eq3A_58 : vector<16xi32>
    %select_n3A_60 = arith.select %eq3A_59, %gather3A_56, %select_n3A_50 : vector<16xi1>, vector<16xf32>
    %div3A_61 = arith.constant 1.000000e+00 : f32
    %div3A_62 = vector.broadcast %div3A_61 : f32 to vector<16xf32>
    %div3A_63 = arith.divf %div3A_62, %select_n3A_60 : vector<16xf32>
    %swap3A = arith.constant 0 : index
    %swap3A_64 = tpu.vector_load %arg7[%swap3A] {strides = array<i32>} : memref<16xf32, #tpu.memory_space<vmem>>, vector<16xf32>,
    %swap3A_65 = vector.shape_cast %swap3A_64 : vector<16xf32> to vector<16xf32>
    %swap3A_66 = vector.shape_cast %div3A_63 : vector<16xf32> to vector<16xf32>
    tpu.vector_store %arg7[%swap3A], %swap3A_66 {strides = array<i32>} : memref<16xf32, #tpu.memory_space<vmem>>, vector<16xf32>,
    %mul3A_67 = arith.constant 16 : i32
    %mul3A_68 = arith.muli %add3A, %mul3A_67 : i32
    "tpu.region"() ({
      %run_scoped3A = tpu.sem_alloc : memref<!tpu.dma_semaphore, #tpu.memory_space<semaphore_mem>>
      %dma_start3A = tpu.memref_slice %arg4[%mul3A_68] : memref<512xf32, #tpu.memory_space<hbm>> -> memref<16xf32, #tpu.memory_space<hbm>>
      %dma_start3A_69 = tpu.memref_slice %arg4[%mul3A_68] : memref<512xf32, #tpu.memory_space<hbm>> -> memref<16xf32, #tpu.memory_space<hbm>>
      tpu.enqueue_dma source(%arg7 : memref<16xf32, #tpu.memory_space<vmem>>) target(%dma_start3A_69 : memref<16xf32, #tpu.memory_space<hbm>>) target_semaphore(%run_scoped3A : memref<!tpu.dma_semaphore, #tpu.memory_space<semaphore_mem>>)
      %dma_wait3A = tpu.memref_slice %arg4[%mul3A_68] : memref<512xf32, #tpu.memory_space<hbm>> -> memref<16xf32, #tpu.memory_space<hbm>>
      %dma_wait3A_70 = tpu.memref_slice %arg4[%mul3A_68] : memref<512xf32, #tpu.memory_space<hbm>> -> memref<16xf32, #tpu.memory_space<hbm>>
      tpu.wait_dma2 semaphore(%run_scoped3A : memref<!tpu.dma_semaphore, #tpu.memory_space<semaphore_mem>>) src(%arg7 : memref<16xf32, #tpu.memory_space<vmem>>) dst(%dma_wait3A_70 : memref<16xf32, #tpu.memory_space<hbm>>)
      tpu.yield
    }) : () -> ()
    return
  }
}

module attributes {stable_mosaic.version = 14 : i64} {
  func.func @_table_body(%arg0: i32, %arg1: i32, %arg2: memref<1x2000x91xf32, #tpu.memory_space<vmem>>, %arg3: memref<1x2000x10xf32, #tpu.memory_space<vmem>>, %arg4: memref<1x1x128xf32, #tpu.memory_space<vmem>>) attributes {dimension_semantics = [#tpu.dimension_semantics<parallel>, #tpu.dimension_semantics<arbitrary>], iteration_bounds = array<i64: 8, 10>, scalar_prefetch = 0 : i64, scratch_operands = 0 : i64, tpu.core_type = #tpu.core_type<tc>, window_params = [{transform_indices = @transform_0, window_bounds = array<i64: 1, 2000, 91>}, {transform_indices = @transform_1, window_bounds = array<i64: 1, 2000, 10>}, {transform_indices = @transform_2, window_bounds = array<i64: 1, 1, 128>}]} {
    %get3A = arith.constant 0 : index
    %get3A_0 = arith.constant 0 : index
    %get3A_1 = arith.constant 0 : index
    %get3A_2 = vector.load %arg2[%get3A, %get3A_0, %get3A_1] : memref<1x2000x91xf32, #tpu.memory_space<vmem>>, vector<1x2000x91xf32>
    %get3A_3 = vector.shape_cast %get3A_2 : vector<1x2000x91xf32> to vector<2000x91xf32>
    %get3A_4 = arith.constant 0 : index
    %get3A_5 = arith.constant 0 : index
    %get3A_6 = arith.constant 0 : index
    %get3A_7 = vector.load %arg3[%get3A_4, %get3A_5, %get3A_6] : memref<1x2000x10xf32, #tpu.memory_space<vmem>>, vector<1x2000x10xf32>
    %get3A_8 = vector.shape_cast %get3A_7 : vector<1x2000x10xf32> to vector<2000x10xf32>
    %neg3A = arith.constant 0.000000e+00 : f32
    %neg3A_9 = vector.broadcast %neg3A : f32 to vector<2000x91xf32>
    %neg3A_10 = arith.subf %neg3A_9, %get3A_3 : vector<2000x91xf32>
    %exp3A = math.exp %neg3A_10 : vector<2000x91xf32>
    %add3A = arith.constant 1.000000e+00 : f32
    %add3A_11 = vector.broadcast %add3A : f32 to vector<2000x91xf32>
    %add3A_12 = arith.addf %exp3A, %add3A_11 : vector<2000x91xf32>
    %neg3A_13 = arith.constant 0.000000e+00 : f32
    %neg3A_14 = vector.broadcast %neg3A_13 : f32 to vector<2000x10xf32>
    %neg3A_15 = arith.subf %neg3A_14, %get3A_8 : vector<2000x10xf32>
    %exp3A_16 = math.exp %neg3A_15 : vector<2000x10xf32>
    %add3A_17 = arith.constant 1.000000e+00 : f32
    %add3A_18 = vector.broadcast %add3A_17 : f32 to vector<2000x10xf32>
    %add3A_19 = arith.addf %exp3A_16, %add3A_18 : vector<2000x10xf32>
    %iota3A = tpu.iota {dimensions = array<i32: 0>} : vector<10x91xi32>
    %iota3A_20 = tpu.iota {dimensions = array<i32: 1>} : vector<10x91xi32>
    %lt3A = arith.constant 10 : i32
    %lt3A_21 = vector.broadcast %lt3A : i32 to vector<10x91xi32>
    %lt3A_22 = arith.cmpi slt, %iota3A_20, %lt3A_21 : vector<10x91xi32>
    %sub3A = arith.constant 10 : i32
    %sub3A_23 = vector.broadcast %sub3A : i32 to vector<10x91xi32>
    %sub3A_24 = arith.subi %iota3A_20, %sub3A_23 : vector<10x91xi32>
    %jit3A = arith.constant 9 : i32
    %div3A = vector.broadcast %jit3A : i32 to vector<10x91xi32>
    %div3A_25 = arith.divsi %sub3A_24, %div3A : vector<10x91xi32>
    %sign3A = arith.constant 0 : i32
    %sign3A_26 = vector.broadcast %sign3A : i32 to vector<10x91xi32>
    %sign3A_27 = arith.cmpi sgt, %sub3A_24, %sign3A_26 : vector<10x91xi32>
    %sign3A_28 = arith.extui %sign3A_27 : vector<10x91xi1> to vector<10x91xi32>
    %sign3A_29 = arith.constant 0 : i32
    %sign3A_30 = vector.broadcast %sign3A_29 : i32 to vector<10x91xi32>
    %sign3A_31 = arith.cmpi slt, %sub3A_24, %sign3A_30 : vector<10x91xi32>
    %sign3A_32 = arith.extui %sign3A_31 : vector<10x91xi1> to vector<10x91xi32>
    %sign3A_33 = arith.subi %sign3A_28, %sign3A_32 : vector<10x91xi32>
    %sign3A_34 = arith.constant 0 : i32
    %sign3A_35 = arith.cmpi sgt, %jit3A, %sign3A_34 : i32
    %sign3A_36 = arith.extui %sign3A_35 : i1 to i32
    %sign3A_37 = arith.constant 0 : i32
    %sign3A_38 = arith.cmpi slt, %jit3A, %sign3A_37 : i32
    %sign3A_39 = arith.extui %sign3A_38 : i1 to i32
    %sign3A_40 = arith.subi %sign3A_36, %sign3A_39 : i32
    %ne3A = vector.broadcast %sign3A_40 : i32 to vector<10x91xi32>
    %ne3A_41 = arith.cmpi ne, %sign3A_33, %ne3A : vector<10x91xi32>
    %rem3A = vector.broadcast %jit3A : i32 to vector<10x91xi32>
    %rem3A_42 = arith.remsi %sub3A_24, %rem3A : vector<10x91xi32>
    %ne3A_43 = arith.constant 0 : i32
    %ne3A_44 = vector.broadcast %ne3A_43 : i32 to vector<10x91xi32>
    %ne3A_45 = arith.cmpi ne, %rem3A_42, %ne3A_44 : vector<10x91xi32>
    %and3A = arith.andi %ne3A_41, %ne3A_45 : vector<10x91xi1>
    %sub3A_46 = arith.constant 1 : i32
    %sub3A_47 = vector.broadcast %sub3A_46 : i32 to vector<10x91xi32>
    %sub3A_48 = arith.subi %div3A_25, %sub3A_47 : vector<10x91xi32>
    %select_n3A = arith.select %and3A, %sub3A_48, %div3A_25 : vector<10x91xi1>, vector<10x91xi32>
    %add3A_49 = arith.constant 1 : i32
    %add3A_50 = vector.broadcast %add3A_49 : i32 to vector<10x91xi32>
    %add3A_51 = arith.addi %select_n3A, %add3A_50 : vector<10x91xi32>
    %jit3A_52 = arith.constant 0 : i32
    %broadcast_in_dim3A = vector.broadcast %jit3A_52 : i32 to vector<10x91xi32>
    %select_n3A_53 = arith.select %lt3A_22, %broadcast_in_dim3A, %add3A_51 : vector<10x91xi1>, vector<10x91xi32>
    %eq3A = arith.cmpi eq, %iota3A, %select_n3A_53 : vector<10x91xi32>
    %convert_element_type3A = arith.extui %eq3A : vector<10x91xi1> to vector<10x91xi32>
    %convert_element_type3A_54 = arith.sitofp %convert_element_type3A : vector<10x91xi32> to vector<10x91xf32>
    %dot_general3A = arith.constant dense<0.000000e+00> : vector<2000x91xf32>
    %dot_general3A_55 = tpu.matmul %add3A_19, %convert_element_type3A_54, %dot_general3A {dimension_numbers = #tpu.dot_dimension_numbers<[1], [0], [0], [1], [0, 0, 1, 1], [], []>, precision = #tpu.contract_precision<fp32>, transpose_lhs_hint = false} : vector<2000x10xf32>, vector<10x91xf32>, vector<2000x91xf32> -> vector<2000x91xf32>
    %mul3A = arith.mulf %add3A_12, %dot_general3A_55 : vector<2000x91xf32>
    %reduce_min3A = arith.constant dense<0x7F800000> : vector<91xf32>
    %reduce_min3A_56 = vector.multi_reduction <minimumf>, %mul3A, %reduce_min3A [0] : vector<2000x91xf32> to vector<91xf32>
    %eq3A_57 = arith.constant 0 : i32
    %eq3A_58 = arith.cmpi eq, %arg1, %eq3A_57 : i32
    %convert_element_type3A_59 = arith.extui %eq3A_58 : i1 to i32
    %cond3A = arith.constant 0 : i32
    %cond3A_60 = arith.cmpi ne, %convert_element_type3A_59, %cond3A : i32
    scf.if %cond3A_60 {
      %broadcast_in_dim3A_71 = arith.constant 0x7F800000 : f32
      %broadcast_in_dim3A_72 = vector.broadcast %broadcast_in_dim3A_71 : f32 to vector<1x1x128xf32>
      %swap3A_73 = arith.constant 0 : index
      %swap3A_74 = arith.constant 0 : index
      %swap3A_75 = arith.constant 0 : index
      %swap3A_76 = vector.load %arg4[%swap3A_73, %swap3A_74, %swap3A_75] : memref<1x1x128xf32, #tpu.memory_space<vmem>>, vector<1x1x128xf32>
      tpu.vector_store %arg4[%swap3A_73, %swap3A_74, %swap3A_75], %broadcast_in_dim3A_72 {strides = array<i32>} : memref<1x1x128xf32, #tpu.memory_space<vmem>>, vector<1x1x128xf32>,
    } else {
    }
    %get3A_61 = arith.constant 0 : index
    %get3A_62 = arith.constant 0 : index
    %get3A_63 = arith.constant 0 : index
    %get3A_64 = vector.load %arg4[%get3A_61, %get3A_62, %get3A_63] : memref<1x1x128xf32, #tpu.memory_space<vmem>>, vector<1x1x91xf32>
    %get3A_65 = vector.shape_cast %get3A_64 : vector<1x1x91xf32> to vector<91xf32>
    %min3A = arith.minimumf %get3A_65, %reduce_min3A_56 : vector<91xf32>
    %swap3A = arith.constant 0 : index
    %swap3A_66 = arith.constant 0 : index
    %swap3A_67 = arith.constant 0 : index
    %swap3A_68 = vector.load %arg4[%swap3A, %swap3A_66, %swap3A_67] : memref<1x1x128xf32, #tpu.memory_space<vmem>>, vector<1x1x91xf32>
    %swap3A_69 = vector.shape_cast %swap3A_68 : vector<1x1x91xf32> to vector<91xf32>
    %swap3A_70 = vector.shape_cast %min3A : vector<91xf32> to vector<1x1x91xf32>
    tpu.vector_store %arg4[%swap3A, %swap3A_66, %swap3A_67], %swap3A_70 {strides = array<i32>} : memref<1x1x128xf32, #tpu.memory_space<vmem>>, vector<1x1x91xf32>,
    return
  }
  func.func @transform_0(%arg0: i32, %arg1: i32) -> (i32, i32, i32) {
    %c0_i32 = arith.constant 0 : i32
    %c0_i32_0 = arith.constant 0 : i32
    return %arg0, %arg1, %c0_i32 : i32, i32, i32
  }
  func.func @transform_1(%arg0: i32, %arg1: i32) -> (i32, i32, i32) {
    %c0_i32 = arith.constant 0 : i32
    %c0_i32_0 = arith.constant 0 : i32
    return %arg0, %arg1, %c0_i32 : i32, i32, i32
  }
  func.func @transform_2(%arg0: i32, %arg1: i32) -> (i32, i32, i32) {
    %c0_i32 = arith.constant 0 : i32
    %c0_i32_0 = arith.constant 0 : i32
    %c0_i32_1 = arith.constant 0 : i32
    return %arg0, %c0_i32, %c0_i32_0 : i32, i32, i32
  }
}

</mosaic_0001>

<sc_bundles>
// kernel: kernel.4.cloned.1.call-start
scs
__scs_entry_jumppad:
0x0: {  	(pc) =	sbr.rel $0x88, $3  }
0x1: {  	(tag) =	ssettag $0x0;
	lr =	simm.s32 $0x1  }
0x2: {  	[smem:$0x3F9E] =	sst lr;
	_ =	strace $0xD0000000  }
0x3: {  	_ = 	snop  }
0x4: {  	_ = 	snop  }
0x5: {  	_ = 	snop  }
0x6: {  	_ = 	snop  }
0x7: {  	_ = 	snop  }
__scs_overlays_trampoline_lowered:
0x8: {  	[smem:$0x3FAD] =	sst s0  }
0x9: {  	[smem:$0x3FAE] =	sst s1  }
0xa: {  	[smem:$0x3FAF] =	sst s2  }
0xb: {  	[smem:$0x3FB0] =	sst s3  }
0xc: {  	[smem:$0x3FB1] =	sst s4  }
0xd: {  	[smem:$0x3FB2] =	sst s5  }
0xe: {  	[smem:$0x3FB3] =	sst s6  }
0xf: {  	[smem:$0x3FB4] =	sst s7  }
0x10: {  	[smem:$0x3FB5] =	sst s8  }
0x11: {  	[smem:$0x3FB6] =	sst s9;
	s0 =	simm.s32 @!p0 $0x0  }
0x12: {  	s1 =	sld [smem:$0x3F9C];
	s0 =	simm.s32 @p0 $0x1  }
0x13: {  	[smem:$0x3FB7] =	sst s0;
	s0 =	simm.s32 @!p1 $0x0  }
0x14: {  	s2 =	sld [smem:$0x3F9B];
	s0 =	simm.s32 @p1 $0x1  }
0x15: {  	[smem:$0x3FB8] =	sst s0;
	s0 =	simm.s32 @!p2 $0x0  }
0x16: {  	s3 =	sld [smem:$0x3FDB];
	s0 =	simm.s32 @p2 $0x1  }
0x17: {  	s4 =	simm.s32 $0x1BF5;
	[smem:$0x3FBA] =	sst s0  }
0x18: {  	s0 =	sld [smem:$0x3F9D];
	_ =	swait.ge [sflag:s4], $0x0  }
0x19: {  	s7 =	sld [smem:$0x3F9E]  }
0x1a: {  	s8 =	sadd.s32 $0xFFFFE003, lr  }
0x1b: {  	s9 =	sadd.s32 $0xFFFFFEF7, lr;
	s5 =	simm.s32 $0xFFFFFFFF;
	p2 =	slt.u32 s8, $0xFFFFF086  }
0x1c: {  	p1 =	slt.u32 s9, $0xF7A;
	s5 =	simm.s32 @!p2 $0x0  }
0x1d: {  	s5 =	simm.s32 @p1 $0x1;
	p0 =	seq.s32 s7, s2  }
0x1e: {  	s7 =	smul.u32 @!p0 $0xF7A, s2;
	p2 =	seq.s32 @!p0 s5, $0x0  }
0x1f: {  	s9 =	smul.u32 $0xF7A, s1;
	s8 =	simm.s32 @!p0 $0x1BF5;
	p2 =	por !p2, p0  }
0x20: {  	[sflag:s8] =	ssyncset.s32 @!p0 $0xFFFFF086;
	s6 =	sadd.s32 @!p0 s3, s7;
	s7 =	simm.s32 @!p0 $0x108  }
0x21: {  	s3 =	sadd.s32 s3, s9;
	s6 =	sadd.s32 @!p0 $0x88, s6;
	s7 =	simm.s32 @p2 $0x1082  }
0x22: {  	[simem:s7], [sflag:s8] =	dma.local @!p0 [hbm:s6], $0xF7A  }
0x23: {  	s9 =	sor.u32 $0xD0000000, s2;
	s6 =	simm.s32 $0x108;
	_ =	swait.ge @!p0 [sflag:s8], $0x0  }
0x24: {  	s3 =	sadd.s32 $0x88, s3;
	s6 =	simm.s32 @!p1 $0x1082;
	[sflag:s4] =	ssyncset.s32 $0xFFFFF086  }
0x25: {  	[simem:s6], [sflag:s4] =	dma.local [hbm:s3], $0xF7A  }
0x26: {  	[smem:$0x3F9E] =	sst s1;
	(tag) =	ssettag s2;
	_ =	strace s9  }
0x27: {  	s1 =	sld [smem:$0x3FAE]  }
0x28: {  	s2 =	sld [smem:$0x3FAF]  }
0x29: {  	s4 =	sld [smem:$0x3FB1]  }
0x2a: {  	p0 =	seq.s32 s5, $0x0;
	s5 =	sld [smem:$0x3FB2]  }
0x2b: {  	s6 =	sld [smem:$0x3FB3]  }
0x2c: {  	s7 =	sld [smem:$0x3FB4]  }
0x2d: {  	s3 =	simm.s32 $0x108;
	s8 =	sld [smem:$0x3FB5]  }
0x2e: {  	s3 =	simm.s32 @!p0 $0x1082;
	s9 =	sld [smem:$0x3FB6]  }
0x2f: {  	lr =	sadd.s32 s0, s3;
	s0 =	sld [smem:$0x3FAD]  }
0x30: {  	s3 =	sld [smem:$0x3FB0]  }
0x31: {  	[smem:$0x3FB9] =	sst s10  }
0x32: {  	s10 =	sld [smem:$0x3FB7];
	_ =	sdelay $0x3  }
0x33: {  	p0 =	seq.s32 s10, $0x1;
	s10 =	sld [smem:$0x3FB9];
	_ =	sdelay $0x3  }
0x34: {  	[smem:$0x3FB9] =	sst s10  }
0x35: {  	s10 =	sld [smem:$0x3FB8];
	_ =	sdelay $0x3  }
0x36: {  	p1 =	seq.s32 s10, $0x1;
	s10 =	sld [smem:$0x3FB9];
	_ =	sdelay $0x3  }
0x37: {  	[smem:$0x3FB9] =	sst s10  }
0x38: {  	s10 =	sld [smem:$0x3FBA]  }
0x39: {  	_ = 	snop;
	(pc) =	sbr.ind lr, $3  }
0x3a: {  	_ = 	snop  }
0x3b: {  	_ = 	snop  }
0x3c: {  	p2 =	seq.s32 s10, $0x1;
	s10 =	sld [smem:$0x3FB9]  }
0x3d: {  	_ =	shalt  }
0x3e: {  	_ =	shalt  }
0x3f: {  	_ =	shalt  }
0x40: {  	_ =	shalt  }
0x41: {  	_ =	shalt  }
0x42: {  	_ =	shalt  }
0x43: {  	_ =	shalt  }
0x44: {  	_ =	shalt  }
0x45: {  	_ =	shalt  }
0x46: {  	_ =	shalt  }
0x47: {  	_ =	shalt  }
0x48: {  	_ =	shalt  }
0x49: {  	_ =	shalt  }
0x4a: {  	_ =	shalt  }
0x4b: {  	_ =	shalt  }
0x4c: {  	_ =	shalt  }
0x4d: {  	_ =	shalt  }
0x4e: {  	_ =	shalt  }
0x4f: {  	_ =	shalt  }
0x50: {  	_ =	shalt  }
0x51: {  	_ =	shalt  }
0x52: {  	_ =	shalt  }
0x53: {  	_ =	shalt  }
0x54: {  	_ =	shalt  }
0x55: {  	_ =	shalt  }
0x56: {  	_ =	shalt  }
0x57: {  	_ =	shalt  }
0x58: {  	_ =	shalt  }
0x59: {  	_ =	shalt  }
0x5a: {  	_ =	shalt  }
0x5b: {  	_ =	shalt  }
0x5c: {  	_ =	shalt  }
0x5d: {  	_ =	shalt  }
0x5e: {  	_ =	shalt  }
0x5f: {  	_ =	shalt  }
0x60: {  	_ =	shalt  }
0x61: {  	_ =	shalt  }
0x62: {  	_ =	shalt  }
0x63: {  	_ =	shalt  }
0x64: {  	_ =	shalt  }
0x65: {  	_ =	shalt  }
0x66: {  	_ =	shalt  }
0x67: {  	_ =	shalt  }
0x68: {  	_ =	shalt  }
0x69: {  	_ =	shalt  }
0x6a: {  	_ =	shalt  }
0x6b: {  	_ =	shalt  }
0x6c: {  	_ =	shalt  }
0x6d: {  	_ =	shalt  }
0x6e: {  	_ =	shalt  }
0x6f: {  	_ =	shalt  }
0x70: {  	_ =	shalt  }
0x71: {  	_ =	shalt  }
0x72: {  	_ =	shalt  }
0x73: {  	_ =	shalt  }
0x74: {  	_ =	shalt  }
0x75: {  	_ =	shalt  }
0x76: {  	_ =	shalt  }
0x77: {  	_ =	shalt  }
0x78: {  	_ =	shalt  }
0x79: {  	_ =	shalt  }
0x7a: {  	_ =	shalt  }
0x7b: {  	_ =	shalt  }
0x7c: {  	_ =	shalt  }
0x7d: {  	_ =	shalt  }
0x7e: {  	_ =	shalt  }
0x7f: {  	_ =	shalt  }
0x80: {  	_ =	shalt  }
0x81: {  	_ =	shalt  }
0x82: {  	_ =	shalt  }
0x83: {  	_ =	shalt  }
0x84: {  	_ =	shalt  }
0x85: {  	_ =	shalt  }
0x86: {  	_ =	shalt  }
0x87: {  	_ =	shalt  }
.Lfunc_end0:
.L_simem_size_0:
called_computation_lowered:
.L_overlay_start_0:
0x88: {  	s2 =	sld [smem:$0x3FD9]  }
0x89: {  	s3 =	sld [smem:$0x3FFE];
	_ =	sdelay $0x1  }
0x8a: {  	s1 =	srdreg.scid  }
0x8b: {  	s0 =	sand.u32 $0x1, s1  }
0x8c: {  	s17 =	sshll.u32 s0, $0xA;
	s2 =	sadd.s32 s3, s2  }
0x8d: {  	s2 =	sadd.s32 s2, s17  }
0x8e: {  	[smem:$0x3FC5] =	sst s2  }
0x8f: {  	_ = 	snop  }
0x90: {  	s2 =	sld [smem:$0x3FD0];
	(tm) =	ssettm $0x1  }
0x91: {  	s18 =	sld [smem:$0x3FFB];
	_ =	sdelay $0x3  }
0x92: {  	_ =	strace s18  }
0x93: {  	s3 =	sld [smem:$0x3FFC];
	_ =	sdelay $0x3  }
0x94: {  	_ =	strace s3  }
0x95: {  	s3 =	sld [smem:$0x3FFD];
	_ =	sdelay $0x3  }
0x96: {  	_ =	strace s3  }
0x97: {  	_ =	strace $0x8FFFFFFF  }
0x98: {  	s19 =	sld [smem:$0x3FDB];
	_ =	sdelay $0x1  }
0x99: {  	s4 =	simm.s32 $_scs_section_size  }
0x9a: {  	s5 =	simm.s32 $_size__tile_overlayer_lowered;
	s6 =	simm.s32 $_tile_overlayer_lowered  }
0x9b: {  	s22 =	simm.s32 $0x1BFF;
	s21 =	sshll.u32 s6, $0x1;
	s3 =	sadd.s32 s4, s19  }
0x9c: {  	s7 =	simm.s32 $0x0;
	s20 =	sshll.u32 s5, $0x1;
	s5 =	sadd.s32 s21, s3  }
0x9d: {  	[timem:s7], [sflag:s22] =	dma.local [hbm:s5], s20  }
0x9e: {  	_ =	swait.ge [sflag:s22], s20  }
0x9f: {  	s4 =	ssub.s32 $0x0, s20;
	[sflag:s22] =	ssyncset.done $0x0  }
0xa0: {  	[sflag:s22] =	ssyncadd.s32 s4;
	_ =	sdelay $0x1  }
0xa1: {  	s23 =	simm.s32 $0x1B8B  }
0xa2: {  	_ =	swait.ge [sflag:s23], $0x1  }
0xa3: {  	[sflag:s23] =	ssyncset.done $0x0  }
0xa4: {  	s25 =	simm.s32 $0x1B8E;
	s24 =	sld [smem:$0x3FFE];
	[sflag:s23] =	ssyncadd.s32 $0xFFFFFFFF  }
0xa5: {  	s26 =	simm.s32 $execute0_lowered;
	[smem:$0x3FD2] =	sst s25  }
0xa6: {  	s5 =	sshll.u32 s26, $0x1;
	_ =	strace $0x80000046;
	[dreg:$0x1] =	wrdreg $0xFFFFFFFF  }
0xa7: {  	s28 =	simm.s32 $_size_execute0_lowered;
	s3 =	sadd.s32 s3, s5;
	[dreg:$0x0] =	wrdreg $0x0  }
0xa8: {  	s5 =	sshll.u32 s28, $0x1;
	[dreg:$0x2] =	wrdreg s3  }
0xa9: {  	[dreg:$0x3] =	wrdreg s5  }
0xaa: {  	[dreg:$0x4] =	wrdreg $0xC0  }
0xab: {  	_ =	task [dreg:s7], $0x5FFFF  }
0xac: {  	[dreg:$0x1] =	wrdreg $0xFFFFFFFF  }
0xad: {  	[dreg:$0x0] =	wrdreg $0x60  }
0xae: {  	[dreg:$0x2] =	wrdreg s2  }
0xaf: {  	[dreg:$0x3] =	wrdreg s24  }
0xb0: {  	[dreg:$0x4] =	wrdreg $0x9  }
0xb1: {  	_ =	task.clear_ibuf [dreg:s7], $0x5FFFF;
	_ =	strace $0x90000046  }
0xb2: {  	s29 =	simm.s32 $0x9;
	_ =	strace $0x80000048  }
0xb3: {  	_ =	swait.ge [sflag:s29], $0x1  }
0xb4: {  	[sflag:s29] =	ssyncadd.s32 $0xFFFFFFFF  }
0xb5: {  	_ =	strace $0x90000048  }
0xb6: {  	_ =	sfence  }
0xb7: {  	s30 =	sld [smem:$0x0];
	_ =	sdelay $0x2  }
0xb8: {  	s31 =	sshll.u32 s1, $0xD;
	s1 =	sshrl.u32 s1, $0x2  }
0xb9: {  	s3 =	sand.u32 $0x4000, s31;
	s1 =	sadd.s32 s1, s30  }
0xba: {  	s0 =	sor.u32 s3, s0;
	s1 =	sshll.u32 s1, $0x11  }
0xbb: {  	s0 =	sor.u32 s1, s0  }
0xbc: {  	s0 =	sadd.s32 $0x8F2B, s0  }
0xbd: {  	[sflag:s0] =	ssyncadd.remote.s32 $0x1  }
0xbe: {  	_ =	sfence.sel $0xFFFF  }
0xbf: {  	[dreg:$0x0] =	wrdreg $0xFFFFFFFF;
	(pc) =	sbr.abs _section_cstart, $3  }
0xc0: {  	[dreg:$0x1] =	wrdreg $0xFFFFFFFF  }
0xc1: {  	_ =	task.clear_ibuf [dreg:s7], $0x2FFFF;
	_ =	strace $0x9FFFFFFF  }
0xc2: {  	(tm) =	ssettm $0x7FFFFFFF  }
0xc3: {  	_ =	shalt  }
tec
execute0_lowered:
.L_overlay_start_1:
0x0: {  	(tag) =	ssettag $0x1  }
0x1: {  	s1 =	srdreg.scid  }
0x2: {  	s5 =	rddreg [dreg:$0x0];
	s0 =	stileid.u32;
	s7 =	sand.u32 $0x1, s1  }
0x3: {  	s3 =	rddreg [dreg:$0x1];
	s4 =	sshll.u32 s0, $0x2;
	s6 =	sshll.u32 s7, $0x1  }
0x4: {  	s2 =	simm.s32 $0x0;
	s1 =	rddreg [dreg:$0x2];
	s4 =	sor.u32 s6, s4  }
0x5: {  	[smem:$0x7FF] =	sst s2;
	s8 =	sadd.s32 s4, s3  }
0x6: {  	_ =	strace $0x80000047;
	s3 =	simm.s32 $0x1;
	s4 =	sadd.s32 $0x4E3000, s8  }
0x7: {  	[tilespmem:s2], [sflag:$0x1] =	stream.linear.gather [hbm4b:s4+s2], $0x10, $0x38;
	[tilespmem:$0x180] =	vst v63  }
0x8: {  	s31 =	sshll.u32 s0, $0x3;
	_ =	swait.ge [sflag:s3], $0x10  }
0x9: {  	s6 =	sand.u32 $0x70, s31;
	[sflag:s3] =	ssyncset.done $0x0  }
0xa: {  	s5 =	sadd.s32 s5, s6;
	s6 =	simm.s32 $0x80;
	[sflag:s3] =	ssyncadd.s32 $0xFFFFFFF0  }
0xb: {  	[tilespmem:s6], [sflag:$0x1] =	stream.linear.gather [hbm4b:s5+s2], $0x40, $0x38;
	[tilespmem:$0x180] =	vst v63  }
0xc: {  	_ =	swait.ge [sflag:s3], $0x40  }
0xd: {  	[sflag:s3] =	ssyncset.done $0x0  }
0xe: {  	[sflag:s3] =	ssyncadd.s32 $0xFFFFFFC0  }
0xf: {  	v0 =	vld [tilespmem:$0x80]  }
0x10: {  	v1 =	vld [tilespmem:$0x0]  }
0x11: {  	v2 =	vld [tilespmem:$0x90]  }
0x12: {  	v3 =	vld [tilespmem:$0xA0]  }
0x13: {  	v4 =	vld [tilespmem:$0xB0];
	_ =	sdelay $0x1  }
0x14: {  	v5 =	vand.u32 $0xF, v1  }
0x15: {  	v1 =	vshra.s32 v1, $0x4;
	v0 =	vperm.xlane v0, v5;
	v2 =	vperm.xlane v2, v5  }
0x16: {  	vm0 =	veq.s32 v1, $0x1;
	v3 =	vperm.xlane v3, v5  }
0x17: {  	vm1 =	veq.s32 v1, $0x2;
	v4 =	vperm.xlane v4, v5;
	v0 =	vsel vm0, v2, v0  }
0x18: {  	vm15 =	veq.s32 v1, $0x3;
	v0 =	vsel vm1, v3, v0  }
0x19: {  	v0 =	vsel vm15, v4, v0  }
0x1a: {  	(erf) = vrcp.f32 v0  }
0x1b: {  	s7 =	ssub.s32 $0x2, s7  }
0x1c: {  	s9 =	sshrl.u32 s7, $0x1  }
0x1d: {  	s7 =	ssub.s32 s7, s9  }
0x1e: {  	s9 =	smax.u32 s7, $0x1  }
0x1f: {  	p0 =	sne.s32 s9, $0x1  }
.Ltmp0:
0x20: {  	_ = 	snop;
	(pc) =	sbr.rel @!p0 .LBB2_2-.Ltmp0, $3  }
0x21: {  	_ =	sdelay $0x1  }
0x22: {  	v0 =	vpop (erf)  }
0x23: {  	s7 =	sadd.s32 $0x1000, s8;
	s8 =	simm.s32 $0x100;
	s9 =	sadd.s32 $0xFFFFFFFF, s9;
	[tilespmem:$0x100] =	vst v0  }
.LBB2_1:
0x24: {  	[hbm4b:s7+s2] =	stream.linear.scatter [tilespmem:s8], [sflag:$0x1], $0x10, $0x38;
	[tilespmem:$0x180] =	vst v63  }
0x25: {  	p0 =	sne.s32 s9, $0x1;
	s9 =	sadd.s32 $0xFFFFFFFF, s9;
	_ =	swait.ge [sflag:s3], $0x10  }
0x26: {  	[sflag:s3] =	ssyncset.done $0x0  }
0x27: {  	[sflag:s3] =	ssyncadd.s32 $0xFFFFFFF0  }
0x28: {  	[tilespmem:s2], [sflag:$0x1] =	stream.linear.gather [hbm4b:s4+s2], $0x10, $0x38;
	[tilespmem:$0x180] =	vst v63  }
0x29: {  	_ =	swait.ge [sflag:s3], $0x10  }
0x2a: {  	[sflag:s3] =	ssyncset.done $0x0  }
0x2b: {  	[sflag:s3] =	ssyncadd.s32 $0xFFFFFFF0  }
0x2c: {  	[tilespmem:s6], [sflag:$0x1] =	stream.linear.gather [hbm4b:s5+s2], $0x40, $0x38;
	[tilespmem:$0x180] =	vst v63  }
0x2d: {  	_ =	swait.ge [sflag:s3], $0x40  }
0x2e: {  	[sflag:s3] =	ssyncset.done $0x0  }
0x2f: {  	[sflag:s3] =	ssyncadd.s32 $0xFFFFFFC0  }
0x30: {  	v0 =	vld [tilespmem:$0x80]  }
0x31: {  	v1 =	vld [tilespmem:$0x90]  }
0x32: {  	v2 =	vld [tilespmem:$0x0]  }
0x33: {  	v3 =	vld [tilespmem:$0xB0]  }
0x34: {  	v4 =	vld [tilespmem:$0xA0];
	_ =	sdelay $0x2  }
0x35: {  	v5 =	vand.u32 $0xF, v2;
	v2 =	vshra.s32 v2, $0x4  }
0x36: {  	v0 =	vperm.xlane v0, v5;
	v1 =	vperm.xlane v1, v5;
	vm0 =	veq.s32 v2, $0x1  }
0x37: {  	vm1 =	veq.s32 v2, $0x2;
	v3 =	vperm.xlane v3, v5;
	v4 =	vperm.xlane v4, v5  }
0x38: {  	v0 =	vsel vm0, v1, v0;
	vm0 =	veq.s32 v2, $0x3  }
0x39: {  	v0 =	vsel vm1, v4, v0  }
0x3a: {  	v0 =	vsel vm0, v3, v0  }
0x3b: {  	(erf) = vrcp.f32 v0;
	_ =	sdelay $0x5  }
.Ltmp1:
0x3c: {  	(pc) =	sbr.rel @p0 .LBB2_1-.Ltmp1, $3  }
0x3d: {  	_ =	sdelay $0x1  }
0x3e: {  	v0 =	vpop (erf)  }
0x3f: {  	[tilespmem:$0x100] =	vst v0  }
.LBB2_2:
0x40: {  	[hbm4b:s7+s2] =	stream.linear.scatter [tilespmem:s8], [sflag:$0x1], $0x10, $0x38;
	[tilespmem:$0x180] =	vst v63  }
0x41: {  	_ =	swait.ge [sflag:s3], $0x10  }
0x42: {  	[sflag:s3] =	ssyncset.done $0x0  }
0x43: {  	[sflag:s3] =	ssyncadd.s32 $0xFFFFFFF0  }
0x44: {  	_ =	sfence.sel $0x180000  }
0x45: {  	[bflag:$0x0] =	sbarrier.arrive $0xFFFF  }
0x46: {  	p0 =	sne.s32 s0, $0x0;
	_ =	strace $0x90000047  }
0x47: {  	s0 =	sadd.s32 @!p0 $0x100000, s1;
	[bflag:$0x2] =	sbarrier.arrive $0xFFFF  }
0x48: {  	[sflag:s0] =	ssyncadd.tile.s32 @!p0 $0x1;
	_ =	shalt  }
.Lfunc_end2:
_tile_overlayer_lowered:
.L_overlay_start_2:
0x49: {  	(tag) =	ssettag $0x2  }
0x4a: {  	s0 =	rddreg [dreg:$0x0];
	s2 =	stileid.u32  }
0x4b: {  	s1 =	rddreg [dreg:$0x1];
	p0 =	sne.s32 s2, $0x0  }
0x4c: {  	s3 =	rddreg [dreg:$0x2];
	[bflag:$0x3] =	sbarrier.arrive $0xFFFF;
	s2 =	simm.s32 @!p0 $0x1C01  }
0x4d: {  	[timem:s3], [sflag:s2] =	dma.local @!p0 [hbm:s0], s1  }
0x4e: {  	s0 =	simm.s32 @!p0 $0x1  }
0x4f: {  	_ =	swait.ge @!p0 [sflag:s0], s1  }
0x50: {  	s1 =	ssub.s32 @!p0 $0x0, s1;
	[sflag:s0] =	ssyncset.done @!p0 $0x0  }
0x51: {  	[sflag:s0] =	ssyncadd.s32 @!p0 s1  }
0x52: {  	[bflag:$0x3] =	sbarrier.arrive $0xFFFF  }
0x53: {  	_ =	shalt  }

</sc_bundles>
